<compile_context>
chip_gen: v7x
topology: tpu7x:2x2x1
jax: 0.10.2.dev20260603
libtpu: 0.0.44.dev20260713+nightly
codegen_flags: <defaults>
</compile_context>

<pallas_src>
import functools

import jax
import jax.numpy as jnp
from jax import lax
from jax.experimental import pallas as pl
from jax.experimental.pallas import tpu as pltpu
from jax.experimental.pallas import tpu_sc as plsc

N_NODES = 10000
D = 128
N_EDGES = 320000

NC = 2
NS = 16
NW = NC * NS

K = 128
CHUNKS_PER_W = 80
EDGES_PER_W = CHUNKS_PER_W * K
E_PAD = EDGES_PER_W * NW

ROWS_PER_TILE = 640
N_PAD = ROWS_PER_TILE * NS

_mesh = plsc.VectorSubcoreMesh(
    core_axis_name="c", subcore_axis_name="s", num_cores=NC, num_subcores=NS)


@functools.partial(
    pl.kernel,
    out_type=jax.ShapeDtypeStruct((NC, N_PAD, D), jnp.float32),
    mesh=_mesh,
    scratch_types=[
        pltpu.VMEM((K,), jnp.int32),
        pltpu.VMEM((K,), jnp.int32),
        pltpu.VMEM((K,), jnp.int32),
        pltpu.VMEM((K,), jnp.int32),
        pltpu.VMEM((K, D), jnp.float32),
        pltpu.VMEM((K, D), jnp.float32),
        pltpu.VMEM_SHARED((N_PAD, D), jnp.float32),
        pltpu.SemaphoreType.DMA,
        pltpu.SemaphoreType.DMA,
        pltpu.SemaphoreType.DMA,
        pltpu.SemaphoreType.DMA,
        pltpu.SemaphoreType.DMA,
        pltpu.SemaphoreType.DMA,
        pltpu.SemaphoreType.DMA,
        pltpu.SemaphoreType.DMA,
    ],
)
def _sc_scatter(x_hbm, zeros_hbm, src_hbm, dst_hbm, out_hbm,
                sidx0, sidx1, didx0, didx1, rows0, rows1, acc,
                gs0, gs1, ss0, ss1, is0, is1, id0, id1):
    c = lax.axis_index("c")
    s = lax.axis_index("s")

    row0 = s * ROWS_PER_TILE
    pltpu.sync_copy(zeros_hbm.at[pl.ds(row0, ROWS_PER_TILE)],
                    acc.at[pl.ds(row0, ROWS_PER_TILE)])
    plsc.subcore_barrier()

    wid = s * NC + c
    base = wid * EDGES_PER_W

    def copy_sidx(i, sbuf, sem):
        pltpu.async_copy(src_hbm.at[pl.ds(base + i * K, K)], sbuf, sem)

    def wait_sidx(i, sbuf, sem):
        pltpu.make_async_copy(src_hbm.at[pl.ds(base + i * K, K)], sbuf,
                              sem).wait()

    def copy_didx(i, dbuf, sem):
        pltpu.async_copy(dst_hbm.at[pl.ds(base + i * K, K)], dbuf, sem)

    def wait_didx(i, dbuf, sem):
        pltpu.make_async_copy(dst_hbm.at[pl.ds(base + i * K, K)], dbuf,
                              sem).wait()

    def gather(sbuf, rbuf, sem):
        pltpu.async_copy(x_hbm.at[sbuf], rbuf, sem)

    def wait_gather(sbuf, rbuf, sem):
        pltpu.make_async_copy(x_hbm.at[sbuf], rbuf, sem).wait()

    def scatter(dbuf, rbuf, sem):
        pltpu.async_copy(rbuf, acc.at[dbuf], sem, add=True)

    def wait_scatter(dbuf, rbuf, sem):
        pltpu.make_async_copy(rbuf, acc.at[dbuf], sem).wait()

    pltpu.sync_copy(src_hbm.at[pl.ds(base, K)], sidx0)
    pltpu.sync_copy(src_hbm.at[pl.ds(base + K, K)], sidx1)
    copy_didx(0, didx0, id0)
    copy_didx(1, didx1, id1)
    gather(sidx0, rows0, gs0)
    gather(sidx1, rows1, gs1)

    def body(p, carry):
        i0 = 2 * p
        wait_gather(sidx0, rows0, gs0)
        copy_sidx(i0 + 2, sidx0, is0)
        wait_didx(i0, didx0, id0)
        scatter(didx0, rows0, ss0)
        wait_gather(sidx1, rows1, gs1)
        copy_sidx(i0 + 3, sidx1, is1)
        wait_scatter(didx0, rows0, ss0)
        copy_didx(i0 + 2, didx0, id0)
        wait_sidx(i0 + 2, sidx0, is0)
        gather(sidx0, rows0, gs0)
        wait_didx(i0 + 1, didx1, id1)
        scatter(didx1, rows1, ss1)
        wait_scatter(didx1, rows1, ss1)
        copy_didx(i0 + 3, didx1, id1)
        wait_sidx(i0 + 3, sidx1, is1)
        gather(sidx1, rows1, gs1)
        return carry

    lax.fori_loop(0, CHUNKS_PER_W // 2 - 1, body, 0)
    i_last = CHUNKS_PER_W - 2
    wait_gather(sidx0, rows0, gs0)
    wait_didx(i_last, didx0, id0)
    scatter(didx0, rows0, ss0)
    wait_gather(sidx1, rows1, gs1)
    wait_didx(i_last + 1, didx1, id1)
    scatter(didx1, rows1, ss1)
    wait_scatter(didx0, rows0, ss0)
    wait_scatter(didx1, rows1, ss1)
    plsc.subcore_barrier()

    pltpu.sync_copy(acc.at[pl.ds(row0, ROWS_PER_TILE)],
                    out_hbm.at[c, pl.ds(row0, ROWS_PER_TILE)])


def _combine_body(a0_ref, a1_ref, x_ref, w_ref, o_ref):
    s = a0_ref[0] + a1_ref[0] + x_ref[...]
    o_ref[...] = jnp.dot(s, w_ref[...], preferred_element_type=jnp.float32)


_R_BLK = 400


def _combine(agg, x, W):
    return pl.pallas_call(
        _combine_body,
        grid=(N_NODES // _R_BLK,),
        in_specs=[
            pl.BlockSpec((1, _R_BLK, D), lambda i: (0, i, 0)),
            pl.BlockSpec((1, _R_BLK, D), lambda i: (1, i, 0)),
            pl.BlockSpec((_R_BLK, D), lambda i: (i, 0)),
            pl.BlockSpec((D, D), lambda i: (0, 0)),
        ],
        out_specs=pl.BlockSpec((_R_BLK, D), lambda i: (i, 0)),
        out_shape=jax.ShapeDtypeStruct((N_NODES, D), jnp.float32),
    )(agg, agg, x, W)


def kernel(x, edge_index, W):
    src = edge_index[0].astype(jnp.int32)
    dst = edge_index[1].astype(jnp.int32)
    pad = E_PAD - N_EDGES
    pad_ar = jnp.arange(pad, dtype=jnp.int32)
    src_p = jnp.concatenate([src, pad_ar % N_NODES])
    dst_p = jnp.concatenate([dst, N_NODES + (pad_ar % (N_PAD - N_NODES))])
    zeros = jnp.zeros((N_PAD, D), jnp.float32)
    agg = _sc_scatter(x, zeros, src_p, dst_p)
    return _combine(agg, x, W)

# --- scband reference (transcript-rebuilt; emitter-appended) ---
"""Pipeline reference for scband-gcnconv-layer-84859963834667 (READ-ONLY COPY).

The authoritative reference and input builder live on the scoring server;
editing this copy changes nothing except your own understanding.
"""

import jax, jax.numpy as jnp
import numpy as np

N_NODES = 10000
D_IN = 128
D_OUT = 128
N_EDGES = 320000


def setup_inputs(seed: int = 0) -> dict:
    key = jax.random.key(seed)
    k_x, k_ei, k_w = jax.random.split(key, 3)
    x = jax.random.normal(k_x, (N_NODES, D_IN), dtype=jnp.float32)
    edge_index = jax.random.randint(k_ei, (2, N_EDGES), 0, N_NODES, dtype=jnp.int64)
    # Glorot-initialized linear weight of pyg.nn.GCNConv (bias=False)
    limit = float(np.sqrt(6.0 / (D_IN + D_OUT)))
    W = jax.random.uniform(k_w, (D_IN, D_OUT), dtype=jnp.float32, minval=-limit, maxval=limit)
    return {"x": x, "edge_index": edge_index, "W": W}


def reference(x, edge_index, W):
    # GCNConvLayer forward with cfg.gnn.msg == 'identity':
    # The overridden message() returns x_j and drops the edge-weight/norm factor,
    # so the layer reduces to: add self-loops, linear transform, then sum-aggregate
    # transformed source features into destination nodes.
    n = x.shape[0]
    x_lin = x @ W  # linear transform (bias=False)
    src = edge_index[0]
    dst = edge_index[1]
    # gcn_norm with add_self_loops=True appends self-loop edges
    loop = jnp.arange(n, dtype=edge_index.dtype)
    src = jnp.concatenate([src, loop], axis=0)
    dst = jnp.concatenate([dst, loop], axis=0)
    # message: x_j (identity) -> gather from source nodes
    msgs = jnp.take(x_lin, src, axis=0)
    # aggregate: scatter-add into destination nodes
    out = jax.ops.segment_sum(msgs, dst, num_segments=n)
    return out

if __name__ == "__main__":
    import jax
    _d = setup_inputs()
    print(jax.jit(kernel)(*tuple(_d.values())))

</pallas_src>

<mosaic_0001>
#map = affine_map<(d0, d1) -> (0, 0)>
#map1 = affine_map<(d0, d1) -> (0)>
#map2 = affine_map<(d0, d1) -> (0, 0, 0)>
module attributes {stable_mosaic.version = 14 : i64} {
  func.func @_sc_scatter(%arg0: i32, %arg1: i32, %arg2: memref<10000x128xf32, #tpu.memory_space<hbm>>, %arg3: memref<10240x128xf32, #tpu.memory_space<hbm>>, %arg4: memref<327680xi32, #tpu.memory_space<hbm>>, %arg5: memref<327680xi32, #tpu.memory_space<hbm>>, %arg6: memref<2x10240x128xf32, #tpu.memory_space<hbm>>, %arg7: memref<128xi32, #tpu.memory_space<vmem>>, %arg8: memref<128xi32, #tpu.memory_space<vmem>>, %arg9: memref<128xi32, #tpu.memory_space<vmem>>, %arg10: memref<128xi32, #tpu.memory_space<vmem>>, %arg11: memref<128x128xf32, #tpu.memory_space<vmem>>, %arg12: memref<128x128xf32, #tpu.memory_space<vmem>>, %arg13: memref<10240x128xf32, #tpu.memory_space<vmem_shared>>, %arg14: memref<!tpu.dma_semaphore, #tpu.memory_space<semaphore_mem>>, %arg15: memref<!tpu.dma_semaphore, #tpu.memory_space<semaphore_mem>>, %arg16: memref<!tpu.dma_semaphore, #tpu.memory_space<semaphore_mem>>, %arg17: memref<!tpu.dma_semaphore, #tpu.memory_space<semaphore_mem>>, %arg18: memref<!tpu.dma_semaphore, #tpu.memory_space<semaphore_mem>>, %arg19: memref<!tpu.dma_semaphore, #tpu.memory_space<semaphore_mem>>, %arg20: memref<!tpu.dma_semaphore, #tpu.memory_space<semaphore_mem>>, %arg21: memref<!tpu.dma_semaphore, #tpu.memory_space<semaphore_mem>>) attributes {dimension_semantics = [#tpu.dimension_semantics<core_parallel>, #tpu.dimension_semantics<subcore_parallel>], iteration_bounds = array<i64: 2, 16>, scalar_prefetch = 0 : i64, scratch_operands = 15 : i64, tpu.core_type = #tpu.core_type<sc_vector_subcore>, window_params = [{transform_indices = #map}, {transform_indices = #map}, {transform_indices = #map1}, {transform_indices = #map1}, {transform_indices = #map2}]} {
    %mul3A = arith.constant 640 : i32
    %mul3A_0 = arith.muli %arg1, %mul3A : i32
    "tpu.region"() ({
      %run_scoped3A = tpu.sem_alloc : memref<!tpu.dma_semaphore, #tpu.memory_space<semaphore_mem>>
      %dma_start3A_51 = arith.constant 0 : i32
      %dma_start3A_52 = tpu.memref_slice %arg13[%mul3A_0, %dma_start3A_51] : memref<10240x128xf32, #tpu.memory_space<vmem_shared>> -> memref<640x128xf32, #tpu.memory_space<vmem_shared>>
      %dma_start3A_53 = arith.constant 0 : i32
      %dma_start3A_54 = tpu.memref_slice %arg3[%mul3A_0, %dma_start3A_53] : memref<10240x128xf32, #tpu.memory_space<hbm>> -> memref<640x128xf32, #tpu.memory_space<hbm>>
      tpu.enqueue_dma source(%dma_start3A_54 : memref<640x128xf32, #tpu.memory_space<hbm>>) target(%dma_start3A_52 : memref<640x128xf32, #tpu.memory_space<vmem_shared>>) target_semaphore(%run_scoped3A : memref<!tpu.dma_semaphore, #tpu.memory_space<semaphore_mem>>)
      %dma_wait3A_55 = arith.constant 0 : i32
      %dma_wait3A_56 = tpu.memref_slice %arg13[%mul3A_0, %dma_wait3A_55] : memref<10240x128xf32, #tpu.memory_space<vmem_shared>> -> memref<640x128xf32, #tpu.memory_space<vmem_shared>>
      %dma_wait3A_57 = arith.constant 0 : i32
      %dma_wait3A_58 = tpu.memref_slice %arg3[%mul3A_0, %dma_wait3A_57] : memref<10240x128xf32, #tpu.memory_space<hbm>> -> memref<640x128xf32, #tpu.memory_space<hbm>>
      tpu.wait_dma2 semaphore(%run_scoped3A : memref<!tpu.dma_semaphore, #tpu.memory_space<semaphore_mem>>) src(%dma_wait3A_58 : memref<640x128xf32, #tpu.memory_space<hbm>>) dst(%dma_wait3A_56 : memref<640x128xf32, #tpu.memory_space<vmem_shared>>)
      tpu.yield
    }) : () -> ()
    %barrier3A = arith.constant 0 : index
    tpu.barrier barrier_id(%barrier3A)
    %mul3A_1 = arith.constant 2 : i32
    %mul3A_2 = arith.muli %arg1, %mul3A_1 : i32
    %add3A = arith.addi %mul3A_2, %arg0 : i32
    %mul3A_3 = arith.constant 10240 : i32
    %mul3A_4 = arith.muli %add3A, %mul3A_3 : i32
    "tpu.region"() ({
      %run_scoped3A = tpu.sem_alloc : memref<!tpu.dma_semaphore, #tpu.memory_space<semaphore_mem>>
      %dma_start3A_51 = tpu.memref_slice %arg4[%mul3A_4] : memref<327680xi32, #tpu.memory_space<hbm>> -> memref<128xi32, #tpu.memory_space<hbm>>
      %dma_start3A_52 = tpu.memref_slice %arg4[%mul3A_4] : memref<327680xi32, #tpu.memory_space<hbm>> -> memref<128xi32, #tpu.memory_space<hbm>>
      tpu.enqueue_dma source(%dma_start3A_52 : memref<128xi32, #tpu.memory_space<hbm>>) target(%arg7 : memref<128xi32, #tpu.memory_space<vmem>>) target_semaphore(%run_scoped3A : memref<!tpu.dma_semaphore, #tpu.memory_space<semaphore_mem>>)
      %dma_wait3A_53 = tpu.memref_slice %arg4[%mul3A_4] : memref<327680xi32, #tpu.memory_space<hbm>> -> memref<128xi32, #tpu.memory_space<hbm>>
      %dma_wait3A_54 = tpu.memref_slice %arg4[%mul3A_4] : memref<327680xi32, #tpu.memory_space<hbm>> -> memref<128xi32, #tpu.memory_space<hbm>>
      tpu.wait_dma2 semaphore(%run_scoped3A : memref<!tpu.dma_semaphore, #tpu.memory_space<semaphore_mem>>) src(%dma_wait3A_54 : memref<128xi32, #tpu.memory_space<hbm>>) dst(%arg7 : memref<128xi32, #tpu.memory_space<vmem>>)
      tpu.yield
    }) : () -> ()
    %add3A_5 = arith.constant 128 : i32
    %add3A_6 = arith.addi %mul3A_4, %add3A_5 : i32
    "tpu.region"() ({
      %run_scoped3A = tpu.sem_alloc : memref<!tpu.dma_semaphore, #tpu.memory_space<semaphore_mem>>
      %dma_start3A_51 = tpu.memref_slice %arg4[%add3A_6] : memref<327680xi32, #tpu.memory_space<hbm>> -> memref<128xi32, #tpu.memory_space<hbm>>
      %dma_start3A_52 = tpu.memref_slice %arg4[%add3A_6] : memref<327680xi32, #tpu.memory_space<hbm>> -> memref<128xi32, #tpu.memory_space<hbm>>
      tpu.enqueue_dma source(%dma_start3A_52 : memref<128xi32, #tpu.memory_space<hbm>>) target(%arg8 : memref<128xi32, #tpu.memory_space<vmem>>) target_semaphore(%run_scoped3A : memref<!tpu.dma_semaphore, #tpu.memory_space<semaphore_mem>>)
      %dma_wait3A_53 = tpu.memref_slice %arg4[%add3A_6] : memref<327680xi32, #tpu.memory_space<hbm>> -> memref<128xi32, #tpu.memory_space<hbm>>
      %dma_wait3A_54 = tpu.memref_slice %arg4[%add3A_6] : memref<327680xi32, #tpu.memory_space<hbm>> -> memref<128xi32, #tpu.memory_space<hbm>>
      tpu.wait_dma2 semaphore(%run_scoped3A : memref<!tpu.dma_semaphore, #tpu.memory_space<semaphore_mem>>) src(%dma_wait3A_54 : memref<128xi32, #tpu.memory_space<hbm>>) dst(%arg8 : memref<128xi32, #tpu.memory_space<vmem>>)
      tpu.yield
    }) : () -> ()
    %add3A_7 = arith.constant 0 : i32
    %add3A_8 = arith.addi %mul3A_4, %add3A_7 : i32
    %dma_start3A = tpu.memref_slice %arg5[%add3A_8] : memref<327680xi32, #tpu.memory_space<hbm>> -> memref<128xi32, #tpu.memory_space<hbm>>
    %dma_start3A_9 = tpu.memref_slice %arg5[%add3A_8] : memref<327680xi32, #tpu.memory_space<hbm>> -> memref<128xi32, #tpu.memory_space<hbm>>
    tpu.enqueue_dma source(%dma_start3A_9 : memref<128xi32, #tpu.memory_space<hbm>>) target(%arg9 : memref<128xi32, #tpu.memory_space<vmem>>) target_semaphore(%arg20 : memref<!tpu.dma_semaphore, #tpu.memory_space<semaphore_mem>>)
    %add3A_10 = arith.constant 128 : i32
    %add3A_11 = arith.addi %mul3A_4, %add3A_10 : i32
    %dma_start3A_12 = tpu.memref_slice %arg5[%add3A_11] : memref<327680xi32, #tpu.memory_space<hbm>> -> memref<128xi32, #tpu.memory_space<hbm>>
    %dma_start3A_13 = tpu.memref_slice %arg5[%add3A_11] : memref<327680xi32, #tpu.memory_space<hbm>> -> memref<128xi32, #tpu.memory_space<hbm>>
    tpu.enqueue_dma source(%dma_start3A_13 : memref<128xi32, #tpu.memory_space<hbm>>) target(%arg10 : memref<128xi32, #tpu.memory_space<vmem>>) target_semaphore(%arg21 : memref<!tpu.dma_semaphore, #tpu.memory_space<semaphore_mem>>)
    %dma_start3A_14 = arith.constant 0 : i32
    %dma_start3A_15 = arith.constant 0 : i32
    %dma_start3A_16 = tpu.memref_slice %arg2[%dma_start3A_14, %dma_start3A_15] : memref<10000x128xf32, #tpu.memory_space<hbm>> -> memref<10000x128xf32, #tpu.memory_space<hbm>>
    tpu.enqueue_indirect_dma source(%dma_start3A_16 : memref<10000x128xf32, #tpu.memory_space<hbm>>) target(%arg11 : memref<128x128xf32, #tpu.memory_space<vmem>>) offsets(%arg7 : memref<128xi32, #tpu.memory_space<vmem>>) semaphore(%arg14 : memref<!tpu.dma_semaphore, #tpu.memory_space<semaphore_mem>>)
    %dma_start3A_17 = arith.constant 0 : i32
    %dma_start3A_18 = arith.constant 0 : i32
    %dma_start3A_19 = tpu.memref_slice %arg2[%dma_start3A_17, %dma_start3A_18] : memref<10000x128xf32, #tpu.memory_space<hbm>> -> memref<10000x128xf32, #tpu.memory_space<hbm>>
    tpu.enqueue_indirect_dma source(%dma_start3A_19 : memref<10000x128xf32, #tpu.memory_space<hbm>>) target(%arg12 : memref<128x128xf32, #tpu.memory_space<vmem>>) offsets(%arg8 : memref<128xi32, #tpu.memory_space<vmem>>) semaphore(%arg15 : memref<!tpu.dma_semaphore, #tpu.memory_space<semaphore_mem>>)
    %scan3A = arith.constant 0 : i32
    %scan3A_20 = arith.constant 0 : i32
    %scan3A_21 = arith.constant 39 : i32
    %scan3A_22 = arith.addi %scan3A_20, %scan3A_21 : i32
    %scan3A_23 = arith.constant 1 : i32
    scf.for %scan3A_51 = %scan3A_20 to %scan3A_22 step %scan3A_23  : i32 {
      %mul3A_52 = arith.constant 2 : i32
      %mul3A_53 = arith.muli %mul3A_52, %scan3A_51 : i32
      %dma_wait3A_54 = arith.constant 0 : i32
      %dma_wait3A_55 = arith.constant 0 : i32
      %dma_wait3A_56 = tpu.memref_slice %arg2[%dma_wait3A_54, %dma_wait3A_55] : memref<10000x128xf32, #tpu.memory_space<hbm>> -> memref<10000x128xf32, #tpu.memory_space<hbm>>
      tpu.wait_indirect_dma semaphore(%arg14 : memref<!tpu.dma_semaphore, #tpu.memory_space<semaphore_mem>>) src(%dma_wait3A_56 : memref<10000x128xf32, #tpu.memory_space<hbm>>) dst(%arg11 : memref<128x128xf32, #tpu.memory_space<vmem>>)
      %add3A_57 = arith.constant 2 : i32
      %add3A_58 = arith.addi %mul3A_53, %add3A_57 : i32
      %mul3A_59 = arith.constant 128 : i32
      %mul3A_60 = arith.muli %add3A_58, %mul3A_59 : i32
      %add3A_61 = arith.addi %mul3A_4, %mul3A_60 : i32
      %dma_start3A_62 = tpu.memref_slice %arg4[%add3A_61] : memref<327680xi32, #tpu.memory_space<hbm>> -> memref<128xi32, #tpu.memory_space<hbm>>
      %dma_start3A_63 = tpu.memref_slice %arg4[%add3A_61] : memref<327680xi32, #tpu.memory_space<hbm>> -> memref<128xi32, #tpu.memory_space<hbm>>
      tpu.enqueue_dma source(%dma_start3A_63 : memref<128xi32, #tpu.memory_space<hbm>>) target(%arg7 : memref<128xi32, #tpu.memory_space<vmem>>) target_semaphore(%arg18 : memref<!tpu.dma_semaphore, #tpu.memory_space<semaphore_mem>>)
      %mul3A_64 = arith.constant 128 : i32
      %mul3A_65 = arith.muli %mul3A_53, %mul3A_64 : i32
      %add3A_66 = arith.addi %mul3A_4, %mul3A_65 : i32
      %dma_wait3A_67 = tpu.memref_slice %arg5[%add3A_66] : memref<327680xi32, #tpu.memory_space<hbm>> -> memref<128xi32, #tpu.memory_space<hbm>>
      %dma_wait3A_68 = tpu.memref_slice %arg5[%add3A_66] : memref<327680xi32, #tpu.memory_space<hbm>> -> memref<128xi32, #tpu.memory_space<hbm>>
      tpu.wait_dma2 semaphore(%arg20 : memref<!tpu.dma_semaphore, #tpu.memory_space<semaphore_mem>>) src(%dma_wait3A_68 : memref<128xi32, #tpu.memory_space<hbm>>) dst(%arg9 : memref<128xi32, #tpu.memory_space<vmem>>)
      %dma_start3A_69 = arith.constant 0 : i32
      %dma_start3A_70 = arith.constant 0 : i32
      %dma_start3A_71 = tpu.memref_slice %arg13[%dma_start3A_69, %dma_start3A_70] : memref<10240x128xf32, #tpu.memory_space<vmem_shared>> -> memref<10240x128xf32, #tpu.memory_space<vmem_shared>>
      tpu.enqueue_indirect_dma source(%arg11 : memref<128x128xf32, #tpu.memory_space<vmem>>) target(%dma_start3A_71 : memref<10240x128xf32, #tpu.memory_space<vmem_shared>>) offsets(%arg9 : memref<128xi32, #tpu.memory_space<vmem>>) semaphore(%arg16 : memref<!tpu.dma_semaphore, #tpu.memory_space<semaphore_mem>>) {add = true}
      %dma_wait3A_72 = arith.constant 0 : i32
      %dma_wait3A_73 = arith.constant 0 : i32
      %dma_wait3A_74 = tpu.memref_slice %arg2[%dma_wait3A_72, %dma_wait3A_73] : memref<10000x128xf32, #tpu.memory_space<hbm>> -> memref<10000x128xf32, #tpu.memory_space<hbm>>
      tpu.wait_indirect_dma semaphore(%arg15 : memref<!tpu.dma_semaphore, #tpu.memory_space<semaphore_mem>>) src(%dma_wait3A_74 : memref<10000x128xf32, #tpu.memory_space<hbm>>) dst(%arg12 : memref<128x128xf32, #tpu.memory_space<vmem>>)
      %add3A_75 = arith.constant 3 : i32
      %add3A_76 = arith.addi %mul3A_53, %add3A_75 : i32
      %mul3A_77 = arith.constant 128 : i32
      %mul3A_78 = arith.muli %add3A_76, %mul3A_77 : i32
      %add3A_79 = arith.addi %mul3A_4, %mul3A_78 : i32
      %dma_start3A_80 = tpu.memref_slice %arg4[%add3A_79] : memref<327680xi32, #tpu.memory_space<hbm>> -> memref<128xi32, #tpu.memory_space<hbm>>
      %dma_start3A_81 = tpu.memref_slice %arg4[%add3A_79] : memref<327680xi32, #tpu.memory_space<hbm>> -> memref<128xi32, #tpu.memory_space<hbm>>
      tpu.enqueue_dma source(%dma_start3A_81 : memref<128xi32, #tpu.memory_space<hbm>>) target(%arg8 : memref<128xi32, #tpu.memory_space<vmem>>) target_semaphore(%arg19 : memref<!tpu.dma_semaphore, #tpu.memory_space<semaphore_mem>>)
      %dma_wait3A_82 = arith.constant 0 : i32
      %dma_wait3A_83 = arith.constant 0 : i32
      %dma_wait3A_84 = tpu.memref_slice %arg13[%dma_wait3A_82, %dma_wait3A_83] : memref<10240x128xf32, #tpu.memory_space<vmem_shared>> -> memref<10240x128xf32, #tpu.memory_space<vmem_shared>>
      tpu.wait_indirect_dma semaphore(%arg16 : memref<!tpu.dma_semaphore, #tpu.memory_space<semaphore_mem>>) src(%arg11 : memref<128x128xf32, #tpu.memory_space<vmem>>) dst(%dma_wait3A_84 : memref<10240x128xf32, #tpu.memory_space<vmem_shared>>)
      %add3A_85 = arith.constant 2 : i32
      %add3A_86 = arith.addi %mul3A_53, %add3A_85 : i32
      %mul3A_87 = arith.constant 128 : i32
      %mul3A_88 = arith.muli %add3A_86, %mul3A_87 : i32
      %add3A_89 = arith.addi %mul3A_4, %mul3A_88 : i32
      %dma_start3A_90 = tpu.memref_slice %arg5[%add3A_89] : memref<327680xi32, #tpu.memory_space<hbm>> -> memref<128xi32, #tpu.memory_space<hbm>>
      %dma_start3A_91 = tpu.memref_slice %arg5[%add3A_89] : memref<327680xi32, #tpu.memory_space<hbm>> -> memref<128xi32, #tpu.memory_space<hbm>>
      tpu.enqueue_dma source(%dma_start3A_91 : memref<128xi32, #tpu.memory_space<hbm>>) target(%arg9 : memref<128xi32, #tpu.memory_space<vmem>>) target_semaphore(%arg20 : memref<!tpu.dma_semaphore, #tpu.memory_space<semaphore_mem>>)
      %add3A_92 = arith.constant 2 : i32
      %add3A_93 = arith.addi %mul3A_53, %add3A_92 : i32
      %mul3A_94 = arith.constant 128 : i32
      %mul3A_95 = arith.muli %add3A_93, %mul3A_94 : i32
      %add3A_96 = arith.addi %mul3A_4, %mul3A_95 : i32
      %dma_wait3A_97 = tpu.memref_slice %arg4[%add3A_96] : memref<327680xi32, #tpu.memory_space<hbm>> -> memref<128xi32, #tpu.memory_space<hbm>>
      %dma_wait3A_98 = tpu.memref_slice %arg4[%add3A_96] : memref<327680xi32, #tpu.memory_space<hbm>> -> memref<128xi32, #tpu.memory_space<hbm>>
      tpu.wait_dma2 semaphore(%arg18 : memref<!tpu.dma_semaphore, #tpu.memory_space<semaphore_mem>>) src(%dma_wait3A_98 : memref<128xi32, #tpu.memory_space<hbm>>) dst(%arg7 : memref<128xi32, #tpu.memory_space<vmem>>)
      %dma_start3A_99 = arith.constant 0 : i32
      %dma_start3A_100 = arith.constant 0 : i32
      %dma_start3A_101 = tpu.memref_slice %arg2[%dma_start3A_99, %dma_start3A_100] : memref<10000x128xf32, #tpu.memory_space<hbm>> -> memref<10000x128xf32, #tpu.memory_space<hbm>>
      tpu.enqueue_indirect_dma source(%dma_start3A_101 : memref<10000x128xf32, #tpu.memory_space<hbm>>) target(%arg11 : memref<128x128xf32, #tpu.memory_space<vmem>>) offsets(%arg7 : memref<128xi32, #tpu.memory_space<vmem>>) semaphore(%arg14 : memref<!tpu.dma_semaphore, #tpu.memory_space<semaphore_mem>>)
      %add3A_102 = arith.constant 1 : i32
      %add3A_103 = arith.addi %mul3A_53, %add3A_102 : i32
      %mul3A_104 = arith.constant 128 : i32
      %mul3A_105 = arith.muli %add3A_103, %mul3A_104 : i32
      %add3A_106 = arith.addi %mul3A_4, %mul3A_105 : i32
      %dma_wait3A_107 = tpu.memref_slice %arg5[%add3A_106] : memref<327680xi32, #tpu.memory_space<hbm>> -> memref<128xi32, #tpu.memory_space<hbm>>
      %dma_wait3A_108 = tpu.memref_slice %arg5[%add3A_106] : memref<327680xi32, #tpu.memory_space<hbm>> -> memref<128xi32, #tpu.memory_space<hbm>>
      tpu.wait_dma2 semaphore(%arg21 : memref<!tpu.dma_semaphore, #tpu.memory_space<semaphore_mem>>) src(%dma_wait3A_108 : memref<128xi32, #tpu.memory_space<hbm>>) dst(%arg10 : memref<128xi32, #tpu.memory_space<vmem>>)
      %dma_start3A_109 = arith.constant 0 : i32
      %dma_start3A_110 = arith.constant 0 : i32
      %dma_start3A_111 = tpu.memref_slice %arg13[%dma_start3A_109, %dma_start3A_110] : memref<10240x128xf32, #tpu.memory_space<vmem_shared>> -> memref<10240x128xf32, #tpu.memory_space<vmem_shared>>
      tpu.enqueue_indirect_dma source(%arg12 : memref<128x128xf32, #tpu.memory_space<vmem>>) target(%dma_start3A_111 : memref<10240x128xf32, #tpu.memory_space<vmem_shared>>) offsets(%arg10 : memref<128xi32, #tpu.memory_space<vmem>>) semaphore(%arg17 : memref<!tpu.dma_semaphore, #tpu.memory_space<semaphore_mem>>) {add = true}
      %dma_wait3A_112 = arith.constant 0 : i32
      %dma_wait3A_113 = arith.constant 0 : i32
      %dma_wait3A_114 = tpu.memref_slice %arg13[%dma_wait3A_112, %dma_wait3A_113] : memref<10240x128xf32, #tpu.memory_space<vmem_shared>> -> memref<10240x128xf32, #tpu.memory_space<vmem_shared>>
      tpu.wait_indirect_dma semaphore(%arg17 : memref<!tpu.dma_semaphore, #tpu.memory_space<semaphore_mem>>) src(%arg12 : memref<128x128xf32, #tpu.memory_space<vmem>>) dst(%dma_wait3A_114 : memref<10240x128xf32, #tpu.memory_space<vmem_shared>>)
      %add3A_115 = arith.constant 3 : i32
      %add3A_116 = arith.addi %mul3A_53, %add3A_115 : i32
      %mul3A_117 = arith.constant 128 : i32
      %mul3A_118 = arith.muli %add3A_116, %mul3A_117 : i32
      %add3A_119 = arith.addi %mul3A_4, %mul3A_118 : i32
      %dma_start3A_120 = tpu.memref_slice %arg5[%add3A_119] : memref<327680xi32, #tpu.memory_space<hbm>> -> memref<128xi32, #tpu.memory_space<hbm>>
      %dma_start3A_121 = tpu.memref_slice %arg5[%add3A_119] : memref<327680xi32, #tpu.memory_space<hbm>> -> memref<128xi32, #tpu.memory_space<hbm>>
      tpu.enqueue_dma source(%dma_start3A_121 : memref<128xi32, #tpu.memory_space<hbm>>) target(%arg10 : memref<128xi32, #tpu.memory_space<vmem>>) target_semaphore(%arg21 : memref<!tpu.dma_semaphore, #tpu.memory_space<semaphore_mem>>)
      %add3A_122 = arith.constant 3 : i32
      %add3A_123 = arith.addi %mul3A_53, %add3A_122 : i32
      %mul3A_124 = arith.constant 128 : i32
      %mul3A_125 = arith.muli %add3A_123, %mul3A_124 : i32
      %add3A_126 = arith.addi %mul3A_4, %mul3A_125 : i32
      %dma_wait3A_127 = tpu.memref_slice %arg4[%add3A_126] : memref<327680xi32, #tpu.memory_space<hbm>> -> memref<128xi32, #tpu.memory_space<hbm>>
      %dma_wait3A_128 = tpu.memref_slice %arg4[%add3A_126] : memref<327680xi32, #tpu.memory_space<hbm>> -> memref<128xi32, #tpu.memory_space<hbm>>
      tpu.wait_dma2 semaphore(%arg19 : memref<!tpu.dma_semaphore, #tpu.memory_space<semaphore_mem>>) src(%dma_wait3A_128 : memref<128xi32, #tpu.memory_space<hbm>>) dst(%arg8 : memref<128xi32, #tpu.memory_space<vmem>>)
      %dma_start3A_129 = arith.constant 0 : i32
      %dma_start3A_130 = arith.constant 0 : i32
      %dma_start3A_131 = tpu.memref_slice %arg2[%dma_start3A_129, %dma_start3A_130] : memref<10000x128xf32, #tpu.memory_space<hbm>> -> memref<10000x128xf32, #tpu.memory_space<hbm>>
      tpu.enqueue_indirect_dma source(%dma_start3A_131 : memref<10000x128xf32, #tpu.memory_space<hbm>>) target(%arg12 : memref<128x128xf32, #tpu.memory_space<vmem>>) offsets(%arg8 : memref<128xi32, #tpu.memory_space<vmem>>) semaphore(%arg15 : memref<!tpu.dma_semaphore, #tpu.memory_space<semaphore_mem>>)
    }
    %scan3A_24 = arith.constant 39 : i32
    %dma_wait3A = arith.constant 0 : i32
    %dma_wait3A_25 = arith.constant 0 : i32
    %dma_wait3A_26 = tpu.memref_slice %arg2[%dma_wait3A, %dma_wait3A_25] : memref<10000x128xf32, #tpu.memory_space<hbm>> -> memref<10000x128xf32, #tpu.memory_space<hbm>>
    tpu.wait_indirect_dma semaphore(%arg14 : memref<!tpu.dma_semaphore, #tpu.memory_space<semaphore_mem>>) src(%dma_wait3A_26 : memref<10000x128xf32, #tpu.memory_space<hbm>>) dst(%arg11 : memref<128x128xf32, #tpu.memory_space<vmem>>)
    %add3A_27 = arith.constant 9984 : i32
    %add3A_28 = arith.addi %mul3A_4, %add3A_27 : i32
    %dma_wait3A_29 = tpu.memref_slice %arg5[%add3A_28] : memref<327680xi32, #tpu.memory_space<hbm>> -> memref<128xi32, #tpu.memory_space<hbm>>
    %dma_wait3A_30 = tpu.memref_slice %arg5[%add3A_28] : memref<327680xi32, #tpu.memory_space<hbm>> -> memref<128xi32, #tpu.memory_space<hbm>>
    tpu.wait_dma2 semaphore(%arg20 : memref<!tpu.dma_semaphore, #tpu.memory_space<semaphore_mem>>) src(%dma_wait3A_30 : memref<128xi32, #tpu.memory_space<hbm>>) dst(%arg9 : memref<128xi32, #tpu.memory_space<vmem>>)
    %dma_start3A_31 = arith.constant 0 : i32
    %dma_start3A_32 = arith.constant 0 : i32
    %dma_start3A_33 = tpu.memref_slice %arg13[%dma_start3A_31, %dma_start3A_32] : memref<10240x128xf32, #tpu.memory_space<vmem_shared>> -> memref<10240x128xf32, #tpu.memory_space<vmem_shared>>
    tpu.enqueue_indirect_dma source(%arg11 : memref<128x128xf32, #tpu.memory_space<vmem>>) target(%dma_start3A_33 : memref<10240x128xf32, #tpu.memory_space<vmem_shared>>) offsets(%arg9 : memref<128xi32, #tpu.memory_space<vmem>>) semaphore(%arg16 : memref<!tpu.dma_semaphore, #tpu.memory_space<semaphore_mem>>) {add = true}
    %dma_wait3A_34 = arith.constant 0 : i32
    %dma_wait3A_35 = arith.constant 0 : i32
    %dma_wait3A_36 = tpu.memref_slice %arg2[%dma_wait3A_34, %dma_wait3A_35] : memref<10000x128xf32, #tpu.memory_space<hbm>> -> memref<10000x128xf32, #tpu.memory_space<hbm>>
    tpu.wait_indirect_dma semaphore(%arg15 : memref<!tpu.dma_semaphore, #tpu.memory_space<semaphore_mem>>) src(%dma_wait3A_36 : memref<10000x128xf32, #tpu.memory_space<hbm>>) dst(%arg12 : memref<128x128xf32, #tpu.memory_space<vmem>>)
    %add3A_37 = arith.constant 10112 : i32
    %add3A_38 = arith.addi %mul3A_4, %add3A_37 : i32
    %dma_wait3A_39 = tpu.memref_slice %arg5[%add3A_38] : memref<327680xi32, #tpu.memory_space<hbm>> -> memref<128xi32, #tpu.memory_space<hbm>>
    %dma_wait3A_40 = tpu.memref_slice %arg5[%add3A_38] : memref<327680xi32, #tpu.memory_space<hbm>> -> memref<128xi32, #tpu.memory_space<hbm>>
    tpu.wait_dma2 semaphore(%arg21 : memref<!tpu.dma_semaphore, #tpu.memory_space<semaphore_mem>>) src(%dma_wait3A_40 : memref<128xi32, #tpu.memory_space<hbm>>) dst(%arg10 : memref<128xi32, #tpu.memory_space<vmem>>)
    %dma_start3A_41 = arith.constant 0 : i32
    %dma_start3A_42 = arith.constant 0 : i32
    %dma_start3A_43 = tpu.memref_slice %arg13[%dma_start3A_41, %dma_start3A_42] : memref<10240x128xf32, #tpu.memory_space<vmem_shared>> -> memref<10240x128xf32, #tpu.memory_space<vmem_shared>>
    tpu.enqueue_indirect_dma source(%arg12 : memref<128x128xf32, #tpu.memory_space<vmem>>) target(%dma_start3A_43 : memref<10240x128xf32, #tpu.memory_space<vmem_shared>>) offsets(%arg10 : memref<128xi32, #tpu.memory_space<vmem>>) semaphore(%arg17 : memref<!tpu.dma_semaphore, #tpu.memory_space<semaphore_mem>>) {add = true}
    %dma_wait3A_44 = arith.constant 0 : i32
    %dma_wait3A_45 = arith.constant 0 : i32
    %dma_wait3A_46 = tpu.memref_slice %arg13[%dma_wait3A_44, %dma_wait3A_45] : memref<10240x128xf32, #tpu.memory_space<vmem_shared>> -> memref<10240x128xf32, #tpu.memory_space<vmem_shared>>
    tpu.wait_indirect_dma semaphore(%arg16 : memref<!tpu.dma_semaphore, #tpu.memory_space<semaphore_mem>>) src(%arg11 : memref<128x128xf32, #tpu.memory_space<vmem>>) dst(%dma_wait3A_46 : memref<10240x128xf32, #tpu.memory_space<vmem_shared>>)
    %dma_wait3A_47 = arith.constant 0 : i32
    %dma_wait3A_48 = arith.constant 0 : i32
    %dma_wait3A_49 = tpu.memref_slice %arg13[%dma_wait3A_47, %dma_wait3A_48] : memref<10240x128xf32, #tpu.memory_space<vmem_shared>> -> memref<10240x128xf32, #tpu.memory_space<vmem_shared>>
    tpu.wait_indirect_dma semaphore(%arg17 : memref<!tpu.dma_semaphore, #tpu.memory_space<semaphore_mem>>) src(%arg12 : memref<128x128xf32, #tpu.memory_space<vmem>>) dst(%dma_wait3A_49 : memref<10240x128xf32, #tpu.memory_space<vmem_shared>>)
    %barrier3A_50 = arith.constant 0 : index
    tpu.barrier barrier_id(%barrier3A_50)
    "tpu.region"() ({
      %run_scoped3A = tpu.sem_alloc : memref<!tpu.dma_semaphore, #tpu.memory_space<semaphore_mem>>
      %dma_start3A_51 = arith.constant 0 : i32
      %dma_start3A_52 = tpu.memref_slice %arg6[%arg0, %mul3A_0, %dma_start3A_51] : memref<2x10240x128xf32, #tpu.memory_space<hbm>> -> memref<1x640x128xf32, #tpu.memory_space<hbm>>
      %dma_start3A_53 = tpu.memref_squeeze %dma_start3A_52 : memref<1x640x128xf32, #tpu.memory_space<hbm>> -> memref<640x128xf32, #tpu.memory_space<hbm>>
      %dma_start3A_54 = arith.constant 0 : i32
      %dma_start3A_55 = tpu.memref_slice %arg13[%mul3A_0, %dma_start3A_54] : memref<10240x128xf32, #tpu.memory_space<vmem_shared>> -> memref<640x128xf32, #tpu.memory_space<vmem_shared>>
      tpu.enqueue_dma source(%dma_start3A_55 : memref<640x128xf32, #tpu.memory_space<vmem_shared>>) target(%dma_start3A_53 : memref<640x128xf32, #tpu.memory_space<hbm>>) target_semaphore(%run_scoped3A : memref<!tpu.dma_semaphore, #tpu.memory_space<semaphore_mem>>)
      %dma_wait3A_56 = arith.constant 0 : i32
      %dma_wait3A_57 = tpu.memref_slice %arg6[%arg0, %mul3A_0, %dma_wait3A_56] : memref<2x10240x128xf32, #tpu.memory_space<hbm>> -> memref<1x640x128xf32, #tpu.memory_space<hbm>>
      %dma_wait3A_58 = tpu.memref_squeeze %dma_wait3A_57 : memref<1x640x128xf32, #tpu.memory_space<hbm>> -> memref<640x128xf32, #tpu.memory_space<hbm>>
      %dma_wait3A_59 = arith.constant 0 : i32
      %dma_wait3A_60 = tpu.memref_slice %arg13[%mul3A_0, %dma_wait3A_59] : memref<10240x128xf32, #tpu.memory_space<vmem_shared>> -> memref<640x128xf32, #tpu.memory_space<vmem_shared>>
      tpu.wait_dma2 semaphore(%run_scoped3A : memref<!tpu.dma_semaphore, #tpu.memory_space<semaphore_mem>>) src(%dma_wait3A_60 : memref<640x128xf32, #tpu.memory_space<vmem_shared>>) dst(%dma_wait3A_58 : memref<640x128xf32, #tpu.memory_space<hbm>>)
      tpu.yield
    }) : () -> ()
    return
  }
}

module attributes {stable_mosaic.version = 14 : i64} {
  func.func @_combine_body(%arg0: i32, %arg1: memref<1x400x128xf32, #tpu.memory_space<vmem>>, %arg2: memref<1x400x128xf32, #tpu.memory_space<vmem>>, %arg3: memref<400x128xf32, #tpu.memory_space<vmem>>, %arg4: memref<128x128xf32, #tpu.memory_space<vmem>>, %arg5: memref<400x128xf32, #tpu.memory_space<vmem>>) attributes {dimension_semantics = [#tpu.dimension_semantics<arbitrary>], iteration_bounds = array<i64: 25>, scalar_prefetch = 0 : i64, scratch_operands = 0 : i64, tpu.core_type = #tpu.core_type<tc>, window_params = [{transform_indices = @transform_0, window_bounds = array<i64: 1, 400, 128>}, {transform_indices = @transform_1, window_bounds = array<i64: 1, 400, 128>}, {transform_indices = @transform_2, window_bounds = array<i64: 400, 128>}, {pipeline_mode = #tpu.pipeline_mode<synchronous>, transform_indices = @transform_3, window_bounds = array<i64: 128, 128>}, {transform_indices = @transform_4, window_bounds = array<i64: 400, 128>}]} {
    %get3A = arith.constant 0 : index
    %get3A_0 = arith.constant 0 : index
    %get3A_1 = arith.constant 0 : index
    %get3A_2 = vector.load %arg1[%get3A, %get3A_0, %get3A_1] : memref<1x400x128xf32, #tpu.memory_space<vmem>>, vector<1x400x128xf32>
    %get3A_3 = vector.shape_cast %get3A_2 : vector<1x400x128xf32> to vector<400x128xf32>
    %get3A_4 = arith.constant 0 : index
    %get3A_5 = arith.constant 0 : index
    %get3A_6 = arith.constant 0 : index
    %get3A_7 = vector.load %arg2[%get3A_4, %get3A_5, %get3A_6] : memref<1x400x128xf32, #tpu.memory_space<vmem>>, vector<1x400x128xf32>
    %get3A_8 = vector.shape_cast %get3A_7 : vector<1x400x128xf32> to vector<400x128xf32>
    %add3A = arith.addf %get3A_3, %get3A_8 : vector<400x128xf32>
    %get3A_9 = arith.constant 0 : index
    %get3A_10 = arith.constant 0 : index
    %get3A_11 = vector.load %arg3[%get3A_9, %get3A_10] : memref<400x128xf32, #tpu.memory_space<vmem>>, vector<400x128xf32>
    %add3A_12 = arith.addf %add3A, %get3A_11 : vector<400x128xf32>
    %get3A_13 = arith.constant 0 : index
    %get3A_14 = arith.constant 0 : index
    %get3A_15 = vector.load %arg4[%get3A_13, %get3A_14] : memref<128x128xf32, #tpu.memory_space<vmem>>, vector<128x128xf32>
    %dot_general3A = arith.constant dense<0.000000e+00> : vector<400x128xf32>
    %dot_general3A_16 = tpu.matmul %add3A_12, %get3A_15, %dot_general3A {dimension_numbers = #tpu.dot_dimension_numbers<[1], [0], [0], [1], [0, 0, 1, 1], [], []>, transpose_lhs_hint = false} : vector<400x128xf32>, vector<128x128xf32>, vector<400x128xf32> -> vector<400x128xf32>
    %swap3A = arith.constant 0 : index
    %swap3A_17 = arith.constant 0 : index
    %swap3A_18 = vector.load %arg5[%swap3A, %swap3A_17] : memref<400x128xf32, #tpu.memory_space<vmem>>, vector<400x128xf32>
    tpu.vector_store %arg5[%swap3A, %swap3A_17], %dot_general3A_16 {strides = array<i32>} : memref<400x128xf32, #tpu.memory_space<vmem>>, vector<400x128xf32>,
    return
  }
  func.func @transform_0(%arg0: i32) -> (i32, i32, i32) {
    %c0_i32 = arith.constant 0 : i32
    %c0_i32_0 = arith.constant 0 : i32
    %c0_i32_1 = arith.constant 0 : i32
    return %c0_i32, %arg0, %c0_i32_0 : i32, i32, i32
  }
  func.func @transform_1(%arg0: i32) -> (i32, i32, i32) {
    %c1_i32 = arith.constant 1 : i32
    %c0_i32 = arith.constant 0 : i32
    %c0_i32_0 = arith.constant 0 : i32
    return %c1_i32, %arg0, %c0_i32 : i32, i32, i32
  }
  func.func @transform_2(%arg0: i32) -> (i32, i32) {
    %c0_i32 = arith.constant 0 : i32
    %c0_i32_0 = arith.constant 0 : i32
    return %arg0, %c0_i32 : i32, i32
  }
  func.func @transform_3(%arg0: i32) -> (i32, i32) {
    %c0_i32 = arith.constant 0 : i32
    %c0_i32_0 = arith.constant 0 : i32
    %c0_i32_1 = arith.constant 0 : i32
    return %c0_i32, %c0_i32_0 : i32, i32
  }
  func.func @transform_4(%arg0: i32) -> (i32, i32) {
    %c0_i32 = arith.constant 0 : i32
    %c0_i32_0 = arith.constant 0 : i32
    return %arg0, %c0_i32 : i32, i32
  }
}

</mosaic_0001>

<sc_bundles>
// kernel: kernel.4.cloned.1.call-start
scs
__scs_entry_jumppad:
0x0: {  	(pc) =	sbr.rel $0x88, $3  }
0x1: {  	(tag) =	ssettag $0x0;
	lr =	simm.s32 $0x1  }
0x2: {  	[smem:$0x3F9E] =	sst lr;
	_ =	strace $0xD0000000  }
0x3: {  	_ = 	snop  }
0x4: {  	_ = 	snop  }
0x5: {  	_ = 	snop  }
0x6: {  	_ = 	snop  }
0x7: {  	_ = 	snop  }
__scs_overlays_trampoline_lowered:
0x8: {  	[smem:$0x3FAD] =	sst s0  }
0x9: {  	[smem:$0x3FAE] =	sst s1  }
0xa: {  	[smem:$0x3FAF] =	sst s2  }
0xb: {  	[smem:$0x3FB0] =	sst s3  }
0xc: {  	[smem:$0x3FB1] =	sst s4  }
0xd: {  	[smem:$0x3FB2] =	sst s5  }
0xe: {  	[smem:$0x3FB3] =	sst s6  }
0xf: {  	[smem:$0x3FB4] =	sst s7  }
0x10: {  	[smem:$0x3FB5] =	sst s8  }
0x11: {  	[smem:$0x3FB6] =	sst s9;
	s0 =	simm.s32 @!p0 $0x0  }
0x12: {  	s1 =	sld [smem:$0x3F9C];
	s0 =	simm.s32 @p0 $0x1  }
0x13: {  	[smem:$0x3FB7] =	sst s0;
	s0 =	simm.s32 @!p1 $0x0  }
0x14: {  	s2 =	sld [smem:$0x3F9B];
	s0 =	simm.s32 @p1 $0x1  }
0x15: {  	[smem:$0x3FB8] =	sst s0;
	s0 =	simm.s32 @!p2 $0x0  }
0x16: {  	s3 =	sld [smem:$0x3FDB];
	s0 =	simm.s32 @p2 $0x1  }
0x17: {  	s4 =	simm.s32 $0x1BF5;
	[smem:$0x3FBA] =	sst s0  }
0x18: {  	s0 =	sld [smem:$0x3F9D];
	_ =	swait.ge [sflag:s4], $0x0  }
0x19: {  	s7 =	sld [smem:$0x3F9E]  }
0x1a: {  	s8 =	sadd.s32 $0xFFFFE003, lr  }
0x1b: {  	s9 =	sadd.s32 $0xFFFFFEF7, lr;
	s5 =	simm.s32 $0xFFFFFFFF;
	p2 =	slt.u32 s8, $0xFFFFF086  }
0x1c: {  	p1 =	slt.u32 s9, $0xF7A;
	s5 =	simm.s32 @!p2 $0x0  }
0x1d: {  	s5 =	simm.s32 @p1 $0x1;
	p0 =	seq.s32 s7, s2  }
0x1e: {  	s7 =	smul.u32 @!p0 $0xF7A, s2;
	p2 =	seq.s32 @!p0 s5, $0x0  }
0x1f: {  	s9 =	smul.u32 $0xF7A, s1;
	s8 =	simm.s32 @!p0 $0x1BF5;
	p2 =	por !p2, p0  }
0x20: {  	[sflag:s8] =	ssyncset.s32 @!p0 $0xFFFFF086;
	s6 =	sadd.s32 @!p0 s3, s7;
	s7 =	simm.s32 @!p0 $0x108  }
0x21: {  	s3 =	sadd.s32 s3, s9;
	s6 =	sadd.s32 @!p0 $0x88, s6;
	s7 =	simm.s32 @p2 $0x1082  }
0x22: {  	[simem:s7], [sflag:s8] =	dma.local @!p0 [hbm:s6], $0xF7A  }
0x23: {  	s9 =	sor.u32 $0xD0000000, s2;
	s6 =	simm.s32 $0x108;
	_ =	swait.ge @!p0 [sflag:s8], $0x0  }
0x24: {  	s3 =	sadd.s32 $0x88, s3;
	s6 =	simm.s32 @!p1 $0x1082;
	[sflag:s4] =	ssyncset.s32 $0xFFFFF086  }
0x25: {  	[simem:s6], [sflag:s4] =	dma.local [hbm:s3], $0xF7A  }
0x26: {  	[smem:$0x3F9E] =	sst s1;
	(tag) =	ssettag s2;
	_ =	strace s9  }
0x27: {  	s1 =	sld [smem:$0x3FAE]  }
0x28: {  	s2 =	sld [smem:$0x3FAF]  }
0x29: {  	s4 =	sld [smem:$0x3FB1]  }
0x2a: {  	p0 =	seq.s32 s5, $0x0;
	s5 =	sld [smem:$0x3FB2]  }
0x2b: {  	s6 =	sld [smem:$0x3FB3]  }
0x2c: {  	s7 =	sld [smem:$0x3FB4]  }
0x2d: {  	s3 =	simm.s32 $0x108;
	s8 =	sld [smem:$0x3FB5]  }
0x2e: {  	s3 =	simm.s32 @!p0 $0x1082;
	s9 =	sld [smem:$0x3FB6]  }
0x2f: {  	lr =	sadd.s32 s0, s3;
	s0 =	sld [smem:$0x3FAD]  }
0x30: {  	s3 =	sld [smem:$0x3FB0]  }
0x31: {  	[smem:$0x3FB9] =	sst s10  }
0x32: {  	s10 =	sld [smem:$0x3FB7];
	_ =	sdelay $0x3  }
0x33: {  	p0 =	seq.s32 s10, $0x1;
	s10 =	sld [smem:$0x3FB9];
	_ =	sdelay $0x3  }
0x34: {  	[smem:$0x3FB9] =	sst s10  }
0x35: {  	s10 =	sld [smem:$0x3FB8];
	_ =	sdelay $0x3  }
0x36: {  	p1 =	seq.s32 s10, $0x1;
	s10 =	sld [smem:$0x3FB9];
	_ =	sdelay $0x3  }
0x37: {  	[smem:$0x3FB9] =	sst s10  }
0x38: {  	s10 =	sld [smem:$0x3FBA]  }
0x39: {  	_ = 	snop;
	(pc) =	sbr.ind lr, $3  }
0x3a: {  	_ = 	snop  }
0x3b: {  	_ = 	snop  }
0x3c: {  	p2 =	seq.s32 s10, $0x1;
	s10 =	sld [smem:$0x3FB9]  }
0x3d: {  	_ =	shalt  }
0x3e: {  	_ =	shalt  }
0x3f: {  	_ =	shalt  }
0x40: {  	_ =	shalt  }
0x41: {  	_ =	shalt  }
0x42: {  	_ =	shalt  }
0x43: {  	_ =	shalt  }
0x44: {  	_ =	shalt  }
0x45: {  	_ =	shalt  }
0x46: {  	_ =	shalt  }
0x47: {  	_ =	shalt  }
0x48: {  	_ =	shalt  }
0x49: {  	_ =	shalt  }
0x4a: {  	_ =	shalt  }
0x4b: {  	_ =	shalt  }
0x4c: {  	_ =	shalt  }
0x4d: {  	_ =	shalt  }
0x4e: {  	_ =	shalt  }
0x4f: {  	_ =	shalt  }
0x50: {  	_ =	shalt  }
0x51: {  	_ =	shalt  }
0x52: {  	_ =	shalt  }
0x53: {  	_ =	shalt  }
0x54: {  	_ =	shalt  }
0x55: {  	_ =	shalt  }
0x56: {  	_ =	shalt  }
0x57: {  	_ =	shalt  }
0x58: {  	_ =	shalt  }
0x59: {  	_ =	shalt  }
0x5a: {  	_ =	shalt  }
0x5b: {  	_ =	shalt  }
0x5c: {  	_ =	shalt  }
0x5d: {  	_ =	shalt  }
0x5e: {  	_ =	shalt  }
0x5f: {  	_ =	shalt  }
0x60: {  	_ =	shalt  }
0x61: {  	_ =	shalt  }
0x62: {  	_ =	shalt  }
0x63: {  	_ =	shalt  }
0x64: {  	_ =	shalt  }
0x65: {  	_ =	shalt  }
0x66: {  	_ =	shalt  }
0x67: {  	_ =	shalt  }
0x68: {  	_ =	shalt  }
0x69: {  	_ =	shalt  }
0x6a: {  	_ =	shalt  }
0x6b: {  	_ =	shalt  }
0x6c: {  	_ =	shalt  }
0x6d: {  	_ =	shalt  }
0x6e: {  	_ =	shalt  }
0x6f: {  	_ =	shalt  }
0x70: {  	_ =	shalt  }
0x71: {  	_ =	shalt  }
0x72: {  	_ =	shalt  }
0x73: {  	_ =	shalt  }
0x74: {  	_ =	shalt  }
0x75: {  	_ =	shalt  }
0x76: {  	_ =	shalt  }
0x77: {  	_ =	shalt  }
0x78: {  	_ =	shalt  }
0x79: {  	_ =	shalt  }
0x7a: {  	_ =	shalt  }
0x7b: {  	_ =	shalt  }
0x7c: {  	_ =	shalt  }
0x7d: {  	_ =	shalt  }
0x7e: {  	_ =	shalt  }
0x7f: {  	_ =	shalt  }
0x80: {  	_ =	shalt  }
0x81: {  	_ =	shalt  }
0x82: {  	_ =	shalt  }
0x83: {  	_ =	shalt  }
0x84: {  	_ =	shalt  }
0x85: {  	_ =	shalt  }
0x86: {  	_ =	shalt  }
0x87: {  	_ =	shalt  }
.Lfunc_end0:
.L_simem_size_0:
called_computation_lowered:
.L_overlay_start_0:
0x88: {  	s2 =	sld [smem:$0x3FD9]  }
0x89: {  	s3 =	sld [smem:$0x3FFE];
	_ =	sdelay $0x1  }
0x8a: {  	s1 =	srdreg.scid  }
0x8b: {  	s0 =	sand.u32 $0x1, s1  }
0x8c: {  	s17 =	sshll.u32 s0, $0xA;
	s2 =	sadd.s32 s3, s2  }
0x8d: {  	s2 =	sadd.s32 s2, s17  }
0x8e: {  	[smem:$0x3FC5] =	sst s2  }
0x8f: {  	_ = 	snop  }
0x90: {  	s2 =	sld [smem:$0x3FC9]  }
0x91: {  	s18 =	sld [smem:$0x3FD0];
	(tm) =	ssettm $0x1  }
0x92: {  	s4 =	sld [smem:$0x3FFB];
	_ =	sdelay $0x3  }
0x93: {  	_ =	strace s4  }
0x94: {  	s4 =	sld [smem:$0x3FFC];
	_ =	sdelay $0x3  }
0x95: {  	_ =	strace s4  }
0x96: {  	s4 =	sld [smem:$0x3FFD];
	_ =	sdelay $0x3  }
0x97: {  	_ =	strace s4  }
0x98: {  	_ =	strace $0x8FFFFFFF  }
0x99: {  	s19 =	sld [smem:$0x3FDB];
	_ =	sdelay $0x1  }
0x9a: {  	s5 =	simm.s32 $_scs_section_size  }
0x9b: {  	s6 =	simm.s32 $_size__tile_overlayer_lowered;
	s7 =	simm.s32 $_tile_overlayer_lowered  }
0x9c: {  	s22 =	simm.s32 $0x1BFF;
	s21 =	sshll.u32 s7, $0x1;
	s4 =	sadd.s32 s5, s19  }
0x9d: {  	s8 =	simm.s32 $0x0;
	s20 =	sshll.u32 s6, $0x1;
	s6 =	sadd.s32 s21, s4  }
0x9e: {  	[timem:s8], [sflag:s22] =	dma.local [hbm:s6], s20  }
0x9f: {  	_ =	swait.ge [sflag:s22], s20  }
0xa0: {  	s5 =	ssub.s32 $0x0, s20;
	[sflag:s22] =	ssyncset.done $0x0  }
0xa1: {  	[sflag:s22] =	ssyncadd.s32 s5;
	_ =	sdelay $0x1  }
0xa2: {  	s23 =	simm.s32 $0x1B8B  }
0xa3: {  	_ =	swait.ge [sflag:s23], $0x1  }
0xa4: {  	[sflag:s23] =	ssyncset.done $0x0  }
0xa5: {  	s25 =	simm.s32 $0x1B8E;
	s24 =	sld [smem:$0x3FFE];
	[sflag:s23] =	ssyncadd.s32 $0xFFFFFFFF  }
0xa6: {  	s26 =	simm.s32 $execute0_lowered;
	[smem:$0x3FD2] =	sst s25  }
0xa7: {  	s6 =	sshll.u32 s26, $0x1;
	_ =	strace $0x80000046;
	[dreg:$0x1] =	wrdreg $0xFFFFFFFF  }
0xa8: {  	s28 =	simm.s32 $_size_execute0_lowered;
	s4 =	sadd.s32 s4, s6;
	[dreg:$0x0] =	wrdreg $0x0  }
0xa9: {  	s6 =	sshll.u32 s28, $0x1;
	[dreg:$0x2] =	wrdreg s4  }
0xaa: {  	[dreg:$0x3] =	wrdreg s6  }
0xab: {  	[dreg:$0x4] =	wrdreg $0xC0  }
0xac: {  	_ =	task [dreg:s8], $0x5FFFF  }
0xad: {  	[dreg:$0x1] =	wrdreg $0xFFFFFFFF  }
0xae: {  	[dreg:$0x0] =	wrdreg $0x60  }
0xaf: {  	[dreg:$0x2] =	wrdreg s2  }
0xb0: {  	[dreg:$0x3] =	wrdreg s24  }
0xb1: {  	[dreg:$0x4] =	wrdreg s18  }
0xb2: {  	[dreg:$0x5] =	wrdreg $0x82000  }
0xb3: {  	[dreg:$0x6] =	wrdreg $0x9  }
0xb4: {  	_ =	task.clear_ibuf [dreg:s8], $0x7FFFF;
	_ =	strace $0x90000046  }
0xb5: {  	s29 =	simm.s32 $0x9;
	_ =	strace $0x80000048  }
0xb6: {  	_ =	swait.ge [sflag:s29], $0x1  }
0xb7: {  	[sflag:s29] =	ssyncadd.s32 $0xFFFFFFFF  }
0xb8: {  	_ =	strace $0x90000048  }
0xb9: {  	_ =	sfence  }
0xba: {  	s30 =	sld [smem:$0x0];
	_ =	sdelay $0x2  }
0xbb: {  	s31 =	sshll.u32 s1, $0xD;
	s1 =	sshrl.u32 s1, $0x2  }
0xbc: {  	s3 =	sand.u32 $0x4000, s31;
	s1 =	sadd.s32 s1, s30  }
0xbd: {  	s0 =	sor.u32 s3, s0;
	s1 =	sshll.u32 s1, $0x11  }
0xbe: {  	s0 =	sor.u32 s1, s0  }
0xbf: {  	s0 =	sadd.s32 $0x8F2B, s0  }
0xc0: {  	[sflag:s0] =	ssyncadd.remote.s32 $0x1  }
0xc1: {  	_ =	sfence.sel $0xFFFF  }
0xc2: {  	[dreg:$0x0] =	wrdreg $0xFFFFFFFF;
	(pc) =	sbr.abs _section_cstart, $3  }
0xc3: {  	[dreg:$0x1] =	wrdreg $0xFFFFFFFF  }
0xc4: {  	_ =	task.clear_ibuf [dreg:s8], $0x2FFFF;
	_ =	strace $0x9FFFFFFF  }
0xc5: {  	(tm) =	ssettm $0x7FFFFFFF  }
tec
execute0_lowered:
.L_overlay_start_1:
0x0: {  	(tag) =	ssettag $0x1  }
0x1: {  	s1 =	rddreg [dreg:$0x0]  }
0x2: {  	s0 =	rddreg [dreg:$0x1]  }
0x3: {  	s2 =	rddreg [dreg:$0x2]  }
0x4: {  	s11 =	stileid.u32;
	s4 =	srdreg.scid  }
0x5: {  	s3 =	rddreg [dreg:$0x3];
	s28 =	simm.s32 $0x3;
	s29 =	simm.s32 $0x5  }
0x6: {  	s30 =	simm.s32 $0x8;
	s31 =	simm.s32 $0x4;
	s5 =	smul.u32 $0x14000, s11  }
0x7: {  	s6 =	sand.u32 $0x1, s4;
	s4 =	simm.s32 $0x0;
	s9 =	smul.u32 $0x50000, s11  }
0x8: {  	s15 =	sadd.s32 $0xA00, s0;
	s10 =	sshll.u32 s11, $0x1;
	s19 =	smul.u32 $0x5000, s11  }
0x9: {  	s20 =	sshll.u32 s11, $0x6;
	s7 =	smul.u32 $0x140000, s6;
	[smem:$0x7FF] =	sst s4  }
0xa: {  	s14 =	ssub.s32 $0x2, s6;
	s10 =	sor.u32 s6, s10;
	s21 =	smul.u32 $0x2800, s6  }
0xb: {  	s6 =	sor.u32 $0x1C09, s20;
	s20 =	simm.s32 $0x100;
	_ =	strace $0x80000047  }
0xc: {  	s8 =	sshrl.u32 s5, $0x3;
	s16 =	sshrl.u32 s14, $0x1;
	s17 =	sshrl.u32 s9, $0x2  }
0xd: {  	s18 =	smul.u32 $0x2800, s10;
	s5 =	sadd.s32 s5, s7;
	s13 =	sadd.s32 s8, s0  }
0xe: {  	s17 =	sadd.s32 s17, s3;
	s5 =	sshrl.u32 s5, $0x3;
	s7 =	sadd.s32 $0xAA00, s13  }
0xf: {  	s9 =	sshrl.u32 s18, $0x3;
	s13 =	sadd.s32 s21, s19;
	s17 =	sshrl.u32 s17, $0x3  }
0x10: {  	s18 =	simm.s32 $0x9;
	s19 =	simm.s32 $0x80;
	s21 =	simm.s32 $0x180  }
0x11: {  	s0 =	sadd.s32 s5, s0;
	s5 =	ssub.s32 s14, s16;
	[dreg:$0x5] =	wrdreg s7  }
0x12: {  	s22 =	sadd.s32 s2, s9;
	s12 =	sor.u32 $0x10, s9;
	s9 =	sadd.s32 s15, s9  }
0x13: {  	s24 =	sor.u32 $0x180, s13;
	s25 =	sor.u32 $0x100, s13;
	[dreg:$0x6] =	wrdreg s22  }
0x14: {  	s23 =	sadd.s32 s2, s12;
	s10 =	sadd.s32 s15, s12;
	s11 =	sadd.s32 $0x32A00, s0  }
0x15: {  	s12 =	smax.u32 s5, $0x1;
	s0 =	sshrl.u32 s24, $0x3;
	s26 =	sshrl.u32 s25, $0x3  }
0x16: {  	s22 =	simm.s32 $0x200;
	s24 =	simm.s32 $0x1;
	s25 =	simm.s32 $0x7  }
0x17: {  	[dreg:$0x7] =	wrdreg s23;
	s13 =	sadd.s32 s0, s15;
	s14 =	sadd.s32 s0, s2  }
0x18: {  	s15 =	sadd.s32 s26, s15;
	s16 =	sadd.s32 s26, s2;
	s23 =	simm.s32 $0x4200  }
0x19: {  	s26 =	simm.s32 $0x2;
	s2 =	simm.s32 $0x6;
	s0 =	simm.s32 $0x0  }
.LBB2_1:
0x1a: {  	s5 =	rddreg [dreg:$0x5]  }
0x1b: {  	[spmem:s17], [sflag:s6] =	dma.local [hbm:s5], $0x2800  }
0x1c: {  	_ =	swait.ge [sflag:s18], $0x2800  }
0x1d: {  	[sflag:s18] =	ssyncset.done $0x0  }
0x1e: {  	[sflag:s18] =	ssyncadd.s32 $0xFFFFD800  }
0x1f: {  	[bflag:$0x0] =	sbarrier.arrive $0xFFFF  }
0x20: {  	s7 =	rddreg [dreg:$0x6]  }
0x21: {  	[tilespmem:s4], [sflag:$0x9] =	stream.linear.gather [hbm4b:s7+s4], $0x80, $0x38;
	[tilespmem:$0x1C200] =	vst v63  }
0x22: {  	_ =	swait.ge [sflag:s18], $0x80  }
0x23: {  	[sflag:s18] =	ssyncset.done $0x0  }
0x24: {  	s8 =	rddreg [dreg:$0x7];
	[sflag:s18] =	ssyncadd.s32 $0xFFFFFF80  }
0x25: {  	[tilespmem:s19], [sflag:$0x9] =	stream.linear.gather [hbm4b:s8+s4], $0x80, $0x38;
	[tilespmem:$0x1C200] =	vst v63  }
0x26: {  	_ =	swait.ge [sflag:s18], $0x80  }
0x27: {  	[sflag:s18] =	ssyncset.done $0x0  }
0x28: {  	[sflag:s18] =	ssyncadd.s32 $0xFFFFFF80  }
0x29: {  	[tilespmem:s20], [sflag:$0x7] =	stream.linear.gather [hbm4b:s9+s4], $0x80, $0x38;
	[tilespmem:$0x1C200] =	vst v63  }
0x2a: {  	_ = 	snop  }
0x2b: {  	[tilespmem:s21], [sflag:$0x8] =	stream.linear.gather [hbm4b:s10+s4], $0x80, $0x38;
	[tilespmem:$0x1C200] =	vst v63  }
0x2c: {  	_ = 	snop  }
0x2d: {  	[tilespmem:s22], [sflag:$0x1] =	stream.indirect.gather [hbm4b:s1+s19], $0x80, s4, s19, $0xb8;
	[tilespmem:$0x1C200] =	vst v63  }
0x2e: {  	_ = 	snop  }
0x2f: {  	[tilespmem:s23], [sflag:$0x2] =	stream.indirect.gather [hbm4b:s1+s19], $0x80, s19, s19, $0xb8;
	[tilespmem:$0x1C200] =	vst v63  }
0x30: {  	_ =	swait.ge [sflag:s24], $0x4000  }
0x31: {  	[sflag:s24] =	ssyncset.done $0x0  }
0x32: {  	s7 =	sadd.s32 $0x0, s16;
	[sflag:s24] =	ssyncadd.s32 $0xFFFFC000  }
0x33: {  	[tilespmem:s4], [sflag:$0x5] =	stream.linear.gather [hbm4b:s7+s4], $0x80, $0x38;
	[tilespmem:$0x1C200] =	vst v63  }
0x34: {  	_ =	swait.ge [sflag:s25], $0x80  }
0x35: {  	[sflag:s25] =	ssyncset.done $0x0  }
0x36: {  	[sflag:s25] =	ssyncadd.s32 $0xFFFFFF80  }
0x37: {  	[spmem:s3] =	stream.indirect.scatter.add.f32 [tilespmem:s22], [sflag:$0x3], $0x80, s20, s19, $0xb8;
	[tilespmem:$0x1C200] =	vst v63  }
0x38: {  	_ =	swait.ge [sflag:s26], $0x4000  }
0x39: {  	[sflag:s26] =	ssyncset.done $0x0  }
0x3a: {  	s8 =	sadd.s32 $0x0, s14;
	[sflag:s26] =	ssyncadd.s32 $0xFFFFC000  }
0x3b: {  	[tilespmem:s19], [sflag:$0x6] =	stream.linear.gather [hbm4b:s8+s4], $0x80, $0x38;
	[tilespmem:$0x1C200] =	vst v63  }
0x3c: {  	_ =	swait.ge [sflag:s28], $0x4000  }
0x3d: {  	[sflag:s28] =	ssyncset.done $0x0  }
0x3e: {  	s7 =	sadd.s32 $0x0, s15;
	[sflag:s28] =	ssyncadd.s32 $0xFFFFC000  }
0x3f: {  	[tilespmem:s20], [sflag:$0x7] =	stream.linear.gather [hbm4b:s7+s4], $0x80, $0x38;
	[tilespmem:$0x1C200] =	vst v63  }
0x40: {  	_ =	swait.ge [sflag:s29], $0x80  }
0x41: {  	[sflag:s29] =	ssyncset.done $0x0  }
0x42: {  	[sflag:s29] =	ssyncadd.s32 $0xFFFFFF80  }
0x43: {  	[tilespmem:s22], [sflag:$0x1] =	stream.indirect.gather [hbm4b:s1+s19], $0x80, s4, s19, $0xb8;
	[tilespmem:$0x1C200] =	vst v63  }
0x44: {  	_ =	swait.ge [sflag:s30], $0x80  }
0x45: {  	[sflag:s30] =	ssyncset.done $0x0  }
0x46: {  	[sflag:s30] =	ssyncadd.s32 $0xFFFFFF80  }
0x47: {  	[spmem:s3] =	stream.indirect.scatter.add.f32 [tilespmem:s23], [sflag:$0x4], $0x80, s21, s19, $0xb8;
	[tilespmem:$0x1C200] =	vst v63  }
0x48: {  	_ =	swait.ge [sflag:s31], $0x4000  }
0x49: {  	[sflag:s31] =	ssyncset.done $0x0  }
0x4a: {  	s8 =	sadd.s32 $0x0, s13;
	[sflag:s31] =	ssyncadd.s32 $0xFFFFC000  }
0x4b: {  	[tilespmem:s21], [sflag:$0x8] =	stream.linear.gather [hbm4b:s8+s4], $0x80, $0x38;
	[tilespmem:$0x1C200] =	vst v63  }
0x4c: {  	_ =	swait.ge [sflag:s2], $0x80  }
0x4d: {  	[sflag:s2] =	ssyncset.done $0x0  }
0x4e: {  	s5 =	simm.s32 $0x20;
	[sflag:s2] =	ssyncadd.s32 $0xFFFFFF80  }
.LBB2_2:
0x4f: {  	[tilespmem:s23], [sflag:$0x2] =	stream.indirect.gather [hbm4b:s1+s19], $0x80, s19, s19, $0xb8;
	[tilespmem:$0x1C200] =	vst v63  }
0x50: {  	s7 =	smov.u32 s5  }
0x51: {  	p0 =	sne.s32 s5, $0x4C0;
	s5 =	sadd.s32 $0x20, s5;
	_ =	swait.ge [sflag:s24], $0x4000  }
0x52: {  	[sflag:s24] =	ssyncset.done $0x0  }
0x53: {  	s8 =	sadd.s32 s7, s16;
	[sflag:s24] =	ssyncadd.s32 $0xFFFFC000  }
0x54: {  	[tilespmem:s4], [sflag:$0x5] =	stream.linear.gather [hbm4b:s8+s4], $0x80, $0x38;
	[tilespmem:$0x1C200] =	vst v63  }
0x55: {  	_ =	swait.ge [sflag:s25], $0x80  }
0x56: {  	[sflag:s25] =	ssyncset.done $0x0  }
0x57: {  	[sflag:s25] =	ssyncadd.s32 $0xFFFFFF80  }
0x58: {  	[spmem:s3] =	stream.indirect.scatter.add.f32 [tilespmem:s22], [sflag:$0x3], $0x80, s20, s19, $0xb8;
	[tilespmem:$0x1C200] =	vst v63  }
0x59: {  	_ =	swait.ge [sflag:s26], $0x4000  }
0x5a: {  	[sflag:s26] =	ssyncset.done $0x0  }
0x5b: {  	s8 =	sadd.s32 s7, s14;
	[sflag:s26] =	ssyncadd.s32 $0xFFFFC000  }
0x5c: {  	[tilespmem:s19], [sflag:$0x6] =	stream.linear.gather [hbm4b:s8+s4], $0x80, $0x38;
	[tilespmem:$0x1C200] =	vst v63  }
0x5d: {  	_ =	swait.ge [sflag:s28], $0x4000  }
0x5e: {  	[sflag:s28] =	ssyncset.done $0x0  }
0x5f: {  	s8 =	sadd.s32 s7, s15;
	[sflag:s28] =	ssyncadd.s32 $0xFFFFC000  }
0x60: {  	[tilespmem:s20], [sflag:$0x7] =	stream.linear.gather [hbm4b:s8+s4], $0x80, $0x38;
	[tilespmem:$0x1C200] =	vst v63  }
0x61: {  	_ =	swait.ge [sflag:s29], $0x80  }
0x62: {  	[sflag:s29] =	ssyncset.done $0x0  }
0x63: {  	[sflag:s29] =	ssyncadd.s32 $0xFFFFFF80  }
0x64: {  	[tilespmem:s22], [sflag:$0x1] =	stream.indirect.gather [hbm4b:s1+s19], $0x80, s4, s19, $0xb8;
	[tilespmem:$0x1C200] =	vst v63  }
0x65: {  	_ =	swait.ge [sflag:s30], $0x80  }
0x66: {  	[sflag:s30] =	ssyncset.done $0x0  }
0x67: {  	[sflag:s30] =	ssyncadd.s32 $0xFFFFFF80  }
0x68: {  	[spmem:s3] =	stream.indirect.scatter.add.f32 [tilespmem:s23], [sflag:$0x4], $0x80, s21, s19, $0xb8;
	[tilespmem:$0x1C200] =	vst v63  }
0x69: {  	_ =	swait.ge [sflag:s31], $0x4000  }
0x6a: {  	[sflag:s31] =	ssyncset.done $0x0  }
.Ltmp0:
0x6b: {  	s7 =	sadd.s32 s7, s13;
	[sflag:s31] =	ssyncadd.s32 $0xFFFFC000;
	(pc) =	sbr.rel @p0 .LBB2_2-.Ltmp0, $4  }
0x6c: {  	[tilespmem:s21], [sflag:$0x8] =	stream.linear.gather [hbm4b:s7+s4], $0x80, $0x38;
	[tilespmem:$0x1C200] =	vst v63  }
0x6d: {  	_ =	swait.ge [sflag:s2], $0x80  }
0x6e: {  	[sflag:s2] =	ssyncset.done $0x0  }
0x6f: {  	[sflag:s2] =	ssyncadd.s32 $0xFFFFFF80  }
0x70: {  	[tilespmem:s23], [sflag:$0x2] =	stream.indirect.gather [hbm4b:s1+s19], $0x80, s19, s19, $0xb8;
	[tilespmem:$0x1C200] =	vst v63  }
0x71: {  	_ =	swait.ge [sflag:s24], $0x4000  }
0x72: {  	[sflag:s24] =	ssyncset.done $0x0  }
0x73: {  	[sflag:s24] =	ssyncadd.s32 $0xFFFFC000  }
0x74: {  	_ =	swait.ge [sflag:s25], $0x80  }
0x75: {  	[sflag:s25] =	ssyncset.done $0x0  }
0x76: {  	[sflag:s25] =	ssyncadd.s32 $0xFFFFFF80  }
0x77: {  	[spmem:s3] =	stream.indirect.scatter.add.f32 [tilespmem:s22], [sflag:$0x3], $0x80, s20, s19, $0xb8;
	[tilespmem:$0x1C200] =	vst v63  }
0x78: {  	_ =	swait.ge [sflag:s26], $0x4000  }
0x79: {  	[sflag:s26] =	ssyncset.done $0x0  }
0x7a: {  	[sflag:s26] =	ssyncadd.s32 $0xFFFFC000  }
0x7b: {  	_ =	swait.ge [sflag:s30], $0x80  }
0x7c: {  	[sflag:s30] =	ssyncset.done $0x0  }
0x7d: {  	[sflag:s30] =	ssyncadd.s32 $0xFFFFFF80  }
0x7e: {  	[spmem:s3] =	stream.indirect.scatter.add.f32 [tilespmem:s23], [sflag:$0x4], $0x80, s21, s19, $0xb8;
	[tilespmem:$0x1C200] =	vst v63  }
0x7f: {  	_ =	swait.ge [sflag:s28], $0x4000  }
0x80: {  	[sflag:s28] =	ssyncset.done $0x0  }
0x81: {  	[sflag:s28] =	ssyncadd.s32 $0xFFFFC000  }
0x82: {  	_ =	swait.ge [sflag:s31], $0x4000  }
0x83: {  	s0 =	sadd.s32 $0x1, s0;
	[sflag:s31] =	ssyncset.done $0x0  }
0x84: {  	p0 =	sne.s32 s0, s12;
	[sflag:s31] =	ssyncadd.s32 $0xFFFFC000  }
.Ltmp1:
0x85: {  	[bflag:$0x0] =	sbarrier.arrive $0xFFFF;
	(pc) =	sbr.rel @p0 .LBB2_1-.Ltmp1, $4  }
0x86: {  	[hbm:s11], [sflag:s6] =	dma.local [spmem:s17], $0x2800  }
0x87: {  	_ =	swait.ge [sflag:s18], $0x2800  }
0x88: {  	[sflag:s18] =	ssyncset.done $0x0  }
0x89: {  	[sflag:s18] =	ssyncadd.s32 $0xFFFFD800  }
0x8a: {  	_ =	sfence.sel $0x180000  }
0x8b: {  	[bflag:$0x0] =	sbarrier.arrive $0xFFFF  }
0x8c: {  	_ =	strace $0x90000047  }
0x8d: {  	s0 =	stileid.u32;
	[bflag:$0x2] =	sbarrier.arrive $0xFFFF  }
0x8e: {  	p0 =	sne.s32 s0, $0x0;
	s0 =	rddreg [dreg:$0x4]  }
0x8f: {  	s0 =	sadd.s32 @!p0 $0x100000, s0  }
0x90: {  	[sflag:s0] =	ssyncadd.tile.s32 @!p0 $0x1;
	_ =	shalt  }
.Lfunc_end2:
_tile_overlayer_lowered:
.L_overlay_start_2:
0x91: {  	(tag) =	ssettag $0x2  }
0x92: {  	s0 =	rddreg [dreg:$0x0];
	s2 =	stileid.u32  }
0x93: {  	s1 =	rddreg [dreg:$0x1];
	p0 =	sne.s32 s2, $0x0  }
0x94: {  	s3 =	rddreg [dreg:$0x2];
	[bflag:$0x3] =	sbarrier.arrive $0xFFFF;
	s2 =	simm.s32 @!p0 $0x1C09  }
0x95: {  	[timem:s3], [sflag:s2] =	dma.local @!p0 [hbm:s0], s1  }
0x96: {  	s0 =	simm.s32 @!p0 $0x9  }
0x97: {  	_ =	swait.ge @!p0 [sflag:s0], s1  }
0x98: {  	s1 =	ssub.s32 @!p0 $0x0, s1;
	[sflag:s0] =	ssyncset.done @!p0 $0x0  }
0x99: {  	[sflag:s0] =	ssyncadd.s32 @!p0 s1  }
0x9a: {  	[bflag:$0x3] =	sbarrier.arrive $0xFFFF  }
0x9b: {  	_ =	shalt  }

</sc_bundles>
